<compile_context>
chip_gen: v7x
topology: tpu7x:2x2x1
jax: 0.10.2.dev20260603
libtpu: 0.0.44.dev20260713+nightly
codegen_flags: <defaults>
</compile_context>

<pallas_src>
import jax
import jax.numpy as jnp
from jax import lax
from jax.experimental import pallas as pl
from jax.experimental.pallas import tpu as pltpu
from jax.experimental.pallas import tpu_sc as plsc

B = 16384
L = 200
NC = 2
NS = 16
NW = NC * NS
B_SC = 8192
COLS_PER_W = B_SC // NW
NGROUP = COLS_PER_W // 16
LCHUNK = 8
NCHUNK = L // LCHUNK
PIPE = 6
BLK = 512


def _sc_body(x_hbm, w_hbm, out_hbm, bb, wv, accv, sem):
    wid = lax.axis_index("s") * NC + lax.axis_index("c")
    base = wid * COLS_PER_W
    pltpu.sync_copy(w_hbm, wv)

    wvec = wv[pl.ds(0, 16)]
    ws = [jnp.broadcast_to(wvec[k], (16,)) for k in range(5)]

    def lookup(v):
        val = jnp.where(v == 1, ws[1], ws[0])
        val = jnp.where(v == 2, ws[2], val)
        val = jnp.where(v == 3, ws[3], val)
        return jnp.where(v == 4, ws[4], val)

    def issue(i):
        pltpu.async_copy(
            x_hbm.at[pl.ds(i * LCHUNK, LCHUNK), pl.ds(base, COLS_PER_W)],
            bb.at[pl.ds(i * LCHUNK, LCHUNK), :], sem)

    def zero_group(g, _):
        accv[pl.ds(g * 16, 16)] = jnp.zeros((16,), jnp.float32)
        return 0

    lax.fori_loop(0, NGROUP, zero_group, 0)

    for i in range(PIPE):
        issue(i)

    def chunk_body(i, _):
        pltpu.make_async_copy(
            x_hbm.at[pl.ds(0, LCHUNK), pl.ds(base, COLS_PER_W)],
            bb.at[pl.ds(0, LCHUNK), :], sem).wait()

        @pl.when(i + PIPE < NCHUNK)
        def _():
            issue(i + PIPE)

        def group_body(g, _):
            gl = g * 16
            vals = []
            for l in range(LCHUNK):
                v = bb[i * LCHUNK + l, pl.ds(gl, 16)]
                vals.append(lookup(v))
            while len(vals) > 1:
                vals = [a + b for a, b in zip(vals[::2], vals[1::2])]
            plsc.addupdate(accv.at[pl.ds(gl, 16)], vals[0])
            return 0

        lax.fori_loop(0, NGROUP, group_body, 0)
        return 0

    lax.fori_loop(0, NCHUNK, chunk_body, 0)
    pltpu.sync_copy(accv, out_hbm.at[pl.ds(base, COLS_PER_W)])


def _tc_body(w_ref, x_ref, o_ref):
    v = x_ref[...]
    w = [w_ref[0, k] for k in range(5)]
    val = jnp.where(v == 1, w[1], w[0])
    val = jnp.where(v == 2, w[2], val)
    val = jnp.where(v == 3, w[3], val)
    val = jnp.where(v == 4, w[4], val)
    o_ref[...] = jnp.sum(val, axis=0, keepdims=True)


@jax.jit
def _call(x_t, w128):
    mesh = plsc.VectorSubcoreMesh(core_axis_name="c", subcore_axis_name="s")
    sc = pl.kernel(
        _sc_body,
        out_type=jax.ShapeDtypeStruct((B_SC,), jnp.float32),
        mesh=mesh,
        scratch_types=[
            pltpu.VMEM((L, COLS_PER_W), jnp.int32),
            pltpu.VMEM((128,), jnp.float32),
            pltpu.VMEM((COLS_PER_W,), jnp.float32),
            pltpu.SemaphoreType.DMA,
        ],
        compiler_params=pltpu.CompilerParams(
            use_tc_tiling_on_sc=True, needs_layout_passes=False),
    )
    out_sc = sc(x_t, w128)

    ntc = (B - B_SC) // BLK
    out_tc = pl.pallas_call(
        _tc_body,
        grid=(ntc,),
        in_specs=[
            pl.BlockSpec((1, 128), lambda j: (0, 0)),
            pl.BlockSpec((L, BLK), lambda j: (0, B_SC // BLK + j)),
        ],
        out_specs=pl.BlockSpec((1, BLK), lambda j: (0, j)),
        out_shape=jax.ShapeDtypeStruct((1, B - B_SC), jnp.float32),
    )(w128.reshape(1, 128), x_t)

    return jnp.concatenate([out_sc, out_tc.reshape(B - B_SC)])


def kernel(x, emb_weight):
    w128 = jnp.zeros((128,), jnp.float32).at[:5].set(emb_weight[:, 0])
    out = _call(x.T, w128)
    return out.reshape(B, 1)

# --- scband reference (transcript-rebuilt; emitter-appended) ---
"""Pipeline reference for scband-custom-model-20615843020983 (READ-ONLY COPY).

The authoritative reference and input builder live on the scoring server;
editing this copy changes nothing except your own understanding.
"""

import jax, jax.numpy as jnp
import numpy as np


def setup_inputs(seed: int = 0) -> dict:
    key = jax.random.key(seed)
    k1, k2 = jax.random.split(key)
    x = jax.random.randint(k1, (16384, 200), 0, 5, dtype=jnp.int64 if jax.config.jax_enable_x64 else jnp.int32)
    # Embedding(5, 1) with deterministic weights: w[i, 0] = i**2
    emb_weight = jnp.array([[0.0], [1.0], [4.0], [9.0], [16.0]], dtype=jnp.float32)
    return {"x": x, "emb_weight": emb_weight}


def reference(x, emb_weight):
    # embedding lookup: [B, L] -> [B, L, 1]
    emb = jnp.take(emb_weight, x, axis=0)
    # sum over sequence dim (dim=1): [B, 1]
    output = emb.sum(axis=1)
    return output

if __name__ == "__main__":
    import jax
    _d = setup_inputs()
    print(jax.jit(kernel)(*tuple(_d.values())))

</pallas_src>

<mosaic_0001>
#map = affine_map<(d0, d1) -> (0, 0)>
#map1 = affine_map<(d0, d1) -> (0)>
module attributes {stable_mosaic.version = 14 : i64} {
  func.func @_sc_body(%arg0: i32, %arg1: i32, %arg2: memref<200x16384xi32, #tpu.memory_space<hbm>>, %arg3: memref<128xf32, #tpu.memory_space<hbm>>, %arg4: memref<8192xf32, #tpu.memory_space<hbm>>, %arg5: memref<200x256xi32, #tpu.memory_space<vmem>>, %arg6: memref<128xf32, #tpu.memory_space<vmem>>, %arg7: memref<256xf32, #tpu.memory_space<vmem>>, %arg8: memref<!tpu.dma_semaphore, #tpu.memory_space<semaphore_mem>>) attributes {dimension_semantics = [#tpu.dimension_semantics<core_parallel>, #tpu.dimension_semantics<subcore_parallel>], iteration_bounds = array<i64: 2, 16>, scalar_prefetch = 0 : i64, scratch_operands = 4 : i64, tpu.core_type = #tpu.core_type<sc_vector_subcore>, window_params = [{transform_indices = #map}, {transform_indices = #map1}, {transform_indices = #map1}]} {
    %mul3A = arith.constant 2 : i32
    %mul3A_0 = arith.muli %arg1, %mul3A : i32
    %add3A = arith.addi %mul3A_0, %arg0 : i32
    %mul3A_1 = arith.constant 256 : i32
    %mul3A_2 = arith.muli %add3A, %mul3A_1 : i32
    "tpu.region"() ({
      %run_scoped3A = tpu.sem_alloc : memref<!tpu.dma_semaphore, #tpu.memory_space<semaphore_mem>>
      tpu.enqueue_dma source(%arg3 : memref<128xf32, #tpu.memory_space<hbm>>) target(%arg6 : memref<128xf32, #tpu.memory_space<vmem>>) target_semaphore(%run_scoped3A : memref<!tpu.dma_semaphore, #tpu.memory_space<semaphore_mem>>)
      tpu.wait_dma2 semaphore(%run_scoped3A : memref<!tpu.dma_semaphore, #tpu.memory_space<semaphore_mem>>) src(%arg3 : memref<128xf32, #tpu.memory_space<hbm>>) dst(%arg6 : memref<128xf32, #tpu.memory_space<vmem>>)
      tpu.yield
    }) : () -> ()
    %get3A = arith.constant 0 : index
    %get3A_3 = tpu.vector_load %arg6[%get3A] {strides = array<i32>} : memref<128xf32, #tpu.memory_space<vmem>>, vector<16xf32>,
    %slice3A = vector.extract_strided_slice %get3A_3 {offsets = [0], sizes = [1], strides = [1]} : vector<16xf32> to vector<1xf32>
    %squeeze3A = vector.extract %slice3A[0] : f32 from vector<1xf32>
    %broadcast_in_dim3A = vector.broadcast %squeeze3A : f32 to vector<16xf32>
    %slice3A_4 = vector.extract_strided_slice %get3A_3 {offsets = [1], sizes = [1], strides = [1]} : vector<16xf32> to vector<1xf32>
    %squeeze3A_5 = vector.extract %slice3A_4[0] : f32 from vector<1xf32>
    %broadcast_in_dim3A_6 = vector.broadcast %squeeze3A_5 : f32 to vector<16xf32>
    %slice3A_7 = vector.extract_strided_slice %get3A_3 {offsets = [2], sizes = [1], strides = [1]} : vector<16xf32> to vector<1xf32>
    %squeeze3A_8 = vector.extract %slice3A_7[0] : f32 from vector<1xf32>
    %broadcast_in_dim3A_9 = vector.broadcast %squeeze3A_8 : f32 to vector<16xf32>
    %slice3A_10 = vector.extract_strided_slice %get3A_3 {offsets = [3], sizes = [1], strides = [1]} : vector<16xf32> to vector<1xf32>
    %squeeze3A_11 = vector.extract %slice3A_10[0] : f32 from vector<1xf32>
    %broadcast_in_dim3A_12 = vector.broadcast %squeeze3A_11 : f32 to vector<16xf32>
    %slice3A_13 = vector.extract_strided_slice %get3A_3 {offsets = [4], sizes = [1], strides = [1]} : vector<16xf32> to vector<1xf32>
    %squeeze3A_14 = vector.extract %slice3A_13[0] : f32 from vector<1xf32>
    %broadcast_in_dim3A_15 = vector.broadcast %squeeze3A_14 : f32 to vector<16xf32>
    %scan3A = arith.constant 0 : i32
    %scan3A_16 = arith.constant 0 : i32
    %scan3A_17 = arith.constant 16 : i32
    %scan3A_18 = arith.addi %scan3A_16, %scan3A_17 : i32
    %scan3A_19 = arith.constant 1 : i32
    %scan3A_20 = scf.for %scan3A_88 = %scan3A_16 to %scan3A_18 step %scan3A_19 iter_args(%scan3A_89 = %scan3A) -> (i32)  : i32 {
      %broadcast_in_dim3A_90 = arith.constant 0.000000e+00 : f32
      %broadcast_in_dim3A_91 = vector.broadcast %broadcast_in_dim3A_90 : f32 to vector<16xf32>
      %mul3A_92 = arith.constant 16 : i32
      %mul3A_93 = arith.muli %scan3A_88, %mul3A_92 : i32
      %swap3A = arith.index_cast %mul3A_93 : i32 to index
      %swap3A_94 = tpu.vector_load %arg7[%swap3A] {strides = array<i32>} : memref<256xf32, #tpu.memory_space<vmem>>, vector<16xf32>,
      tpu.vector_store %arg7[%swap3A], %broadcast_in_dim3A_91 {strides = array<i32>} : memref<256xf32, #tpu.memory_space<vmem>>, vector<16xf32>,
      %scan3A_95 = arith.constant 0 : i32
      scf.yield %scan3A_95 : i32
    }
    %scan3A_21 = arith.constant 16 : i32
    %dma_start3A = arith.constant 0 : i32
    %dma_start3A_22 = arith.constant 0 : i32
    %dma_start3A_23 = tpu.memref_slice %arg5[%dma_start3A, %dma_start3A_22] : memref<200x256xi32, #tpu.memory_space<vmem>> -> memref<8x256xi32, #tpu.memory_space<vmem>>
    %dma_start3A_24 = arith.constant 0 : i32
    %dma_start3A_25 = tpu.memref_slice %arg2[%dma_start3A_24, %mul3A_2] : memref<200x16384xi32, #tpu.memory_space<hbm>> -> memref<8x256xi32, #tpu.memory_space<hbm>>
    %dma_start3A_26 = arith.constant 0 : i32
    %dma_start3A_27 = arith.constant 0 : i32
    %dma_start3A_28 = tpu.memref_slice %arg5[%dma_start3A_26, %dma_start3A_27] : memref<200x256xi32, #tpu.memory_space<vmem>> -> memref<8x256xi32, #tpu.memory_space<vmem>>
    %dma_start3A_29 = arith.constant 0 : i32
    %dma_start3A_30 = tpu.memref_slice %arg2[%dma_start3A_29, %mul3A_2] : memref<200x16384xi32, #tpu.memory_space<hbm>> -> memref<8x256xi32, #tpu.memory_space<hbm>>
    tpu.enqueue_dma source(%dma_start3A_30 : memref<8x256xi32, #tpu.memory_space<hbm>>) target(%dma_start3A_28 : memref<8x256xi32, #tpu.memory_space<vmem>>) target_semaphore(%arg8 : memref<!tpu.dma_semaphore, #tpu.memory_space<semaphore_mem>>)
    %dma_start3A_31 = arith.constant 8 : i32
    %dma_start3A_32 = arith.constant 0 : i32
    %dma_start3A_33 = tpu.memref_slice %arg5[%dma_start3A_31, %dma_start3A_32] : memref<200x256xi32, #tpu.memory_space<vmem>> -> memref<8x256xi32, #tpu.memory_space<vmem>>
    %dma_start3A_34 = arith.constant 8 : i32
    %dma_start3A_35 = tpu.memref_slice %arg2[%dma_start3A_34, %mul3A_2] : memref<200x16384xi32, #tpu.memory_space<hbm>> -> memref<8x256xi32, #tpu.memory_space<hbm>>
    %dma_start3A_36 = arith.constant 8 : i32
    %dma_start3A_37 = arith.constant 0 : i32
    %dma_start3A_38 = tpu.memref_slice %arg5[%dma_start3A_36, %dma_start3A_37] : memref<200x256xi32, #tpu.memory_space<vmem>> -> memref<8x256xi32, #tpu.memory_space<vmem>>
    %dma_start3A_39 = arith.constant 8 : i32
    %dma_start3A_40 = tpu.memref_slice %arg2[%dma_start3A_39, %mul3A_2] : memref<200x16384xi32, #tpu.memory_space<hbm>> -> memref<8x256xi32, #tpu.memory_space<hbm>>
    tpu.enqueue_dma source(%dma_start3A_40 : memref<8x256xi32, #tpu.memory_space<hbm>>) target(%dma_start3A_38 : memref<8x256xi32, #tpu.memory_space<vmem>>) target_semaphore(%arg8 : memref<!tpu.dma_semaphore, #tpu.memory_space<semaphore_mem>>)
    %dma_start3A_41 = arith.constant 16 : i32
    %dma_start3A_42 = arith.constant 0 : i32
    %dma_start3A_43 = tpu.memref_slice %arg5[%dma_start3A_41, %dma_start3A_42] : memref<200x256xi32, #tpu.memory_space<vmem>> -> memref<8x256xi32, #tpu.memory_space<vmem>>
    %dma_start3A_44 = arith.constant 16 : i32
    %dma_start3A_45 = tpu.memref_slice %arg2[%dma_start3A_44, %mul3A_2] : memref<200x16384xi32, #tpu.memory_space<hbm>> -> memref<8x256xi32, #tpu.memory_space<hbm>>
    %dma_start3A_46 = arith.constant 16 : i32
    %dma_start3A_47 = arith.constant 0 : i32
    %dma_start3A_48 = tpu.memref_slice %arg5[%dma_start3A_46, %dma_start3A_47] : memref<200x256xi32, #tpu.memory_space<vmem>> -> memref<8x256xi32, #tpu.memory_space<vmem>>
    %dma_start3A_49 = arith.constant 16 : i32
    %dma_start3A_50 = tpu.memref_slice %arg2[%dma_start3A_49, %mul3A_2] : memref<200x16384xi32, #tpu.memory_space<hbm>> -> memref<8x256xi32, #tpu.memory_space<hbm>>
    tpu.enqueue_dma source(%dma_start3A_50 : memref<8x256xi32, #tpu.memory_space<hbm>>) target(%dma_start3A_48 : memref<8x256xi32, #tpu.memory_space<vmem>>) target_semaphore(%arg8 : memref<!tpu.dma_semaphore, #tpu.memory_space<semaphore_mem>>)
    %dma_start3A_51 = arith.constant 24 : i32
    %dma_start3A_52 = arith.constant 0 : i32
    %dma_start3A_53 = tpu.memref_slice %arg5[%dma_start3A_51, %dma_start3A_52] : memref<200x256xi32, #tpu.memory_space<vmem>> -> memref<8x256xi32, #tpu.memory_space<vmem>>
    %dma_start3A_54 = arith.constant 24 : i32
    %dma_start3A_55 = tpu.memref_slice %arg2[%dma_start3A_54, %mul3A_2] : memref<200x16384xi32, #tpu.memory_space<hbm>> -> memref<8x256xi32, #tpu.memory_space<hbm>>
    %dma_start3A_56 = arith.constant 24 : i32
    %dma_start3A_57 = arith.constant 0 : i32
    %dma_start3A_58 = tpu.memref_slice %arg5[%dma_start3A_56, %dma_start3A_57] : memref<200x256xi32, #tpu.memory_space<vmem>> -> memref<8x256xi32, #tpu.memory_space<vmem>>
    %dma_start3A_59 = arith.constant 24 : i32
    %dma_start3A_60 = tpu.memref_slice %arg2[%dma_start3A_59, %mul3A_2] : memref<200x16384xi32, #tpu.memory_space<hbm>> -> memref<8x256xi32, #tpu.memory_space<hbm>>
    tpu.enqueue_dma source(%dma_start3A_60 : memref<8x256xi32, #tpu.memory_space<hbm>>) target(%dma_start3A_58 : memref<8x256xi32, #tpu.memory_space<vmem>>) target_semaphore(%arg8 : memref<!tpu.dma_semaphore, #tpu.memory_space<semaphore_mem>>)
    %dma_start3A_61 = arith.constant 32 : i32
    %dma_start3A_62 = arith.constant 0 : i32
    %dma_start3A_63 = tpu.memref_slice %arg5[%dma_start3A_61, %dma_start3A_62] : memref<200x256xi32, #tpu.memory_space<vmem>> -> memref<8x256xi32, #tpu.memory_space<vmem>>
    %dma_start3A_64 = arith.constant 32 : i32
    %dma_start3A_65 = tpu.memref_slice %arg2[%dma_start3A_64, %mul3A_2] : memref<200x16384xi32, #tpu.memory_space<hbm>> -> memref<8x256xi32, #tpu.memory_space<hbm>>
    %dma_start3A_66 = arith.constant 32 : i32
    %dma_start3A_67 = arith.constant 0 : i32
    %dma_start3A_68 = tpu.memref_slice %arg5[%dma_start3A_66, %dma_start3A_67] : memref<200x256xi32, #tpu.memory_space<vmem>> -> memref<8x256xi32, #tpu.memory_space<vmem>>
    %dma_start3A_69 = arith.constant 32 : i32
    %dma_start3A_70 = tpu.memref_slice %arg2[%dma_start3A_69, %mul3A_2] : memref<200x16384xi32, #tpu.memory_space<hbm>> -> memref<8x256xi32, #tpu.memory_space<hbm>>
    tpu.enqueue_dma source(%dma_start3A_70 : memref<8x256xi32, #tpu.memory_space<hbm>>) target(%dma_start3A_68 : memref<8x256xi32, #tpu.memory_space<vmem>>) target_semaphore(%arg8 : memref<!tpu.dma_semaphore, #tpu.memory_space<semaphore_mem>>)
    %dma_start3A_71 = arith.constant 40 : i32
    %dma_start3A_72 = arith.constant 0 : i32
    %dma_start3A_73 = tpu.memref_slice %arg5[%dma_start3A_71, %dma_start3A_72] : memref<200x256xi32, #tpu.memory_space<vmem>> -> memref<8x256xi32, #tpu.memory_space<vmem>>
    %dma_start3A_74 = arith.constant 40 : i32
    %dma_start3A_75 = tpu.memref_slice %arg2[%dma_start3A_74, %mul3A_2] : memref<200x16384xi32, #tpu.memory_space<hbm>> -> memref<8x256xi32, #tpu.memory_space<hbm>>
    %dma_start3A_76 = arith.constant 40 : i32
    %dma_start3A_77 = arith.constant 0 : i32
    %dma_start3A_78 = tpu.memref_slice %arg5[%dma_start3A_76, %dma_start3A_77] : memref<200x256xi32, #tpu.memory_space<vmem>> -> memref<8x256xi32, #tpu.memory_space<vmem>>
    %dma_start3A_79 = arith.constant 40 : i32
    %dma_start3A_80 = tpu.memref_slice %arg2[%dma_start3A_79, %mul3A_2] : memref<200x16384xi32, #tpu.memory_space<hbm>> -> memref<8x256xi32, #tpu.memory_space<hbm>>
    tpu.enqueue_dma source(%dma_start3A_80 : memref<8x256xi32, #tpu.memory_space<hbm>>) target(%dma_start3A_78 : memref<8x256xi32, #tpu.memory_space<vmem>>) target_semaphore(%arg8 : memref<!tpu.dma_semaphore, #tpu.memory_space<semaphore_mem>>)
    %scan3A_81 = arith.constant 0 : i32
    %scan3A_82 = arith.constant 0 : i32
    %scan3A_83 = arith.constant 25 : i32
    %scan3A_84 = arith.addi %scan3A_82, %scan3A_83 : i32
    %scan3A_85 = arith.constant 1 : i32
    %scan3A_86 = scf.for %scan3A_88 = %scan3A_82 to %scan3A_84 step %scan3A_85 iter_args(%scan3A_89 = %scan3A_81) -> (i32)  : i32 {
      %dma_wait3A = arith.constant 0 : i32
      %dma_wait3A_90 = arith.constant 0 : i32
      %dma_wait3A_91 = tpu.memref_slice %arg5[%dma_wait3A, %dma_wait3A_90] : memref<200x256xi32, #tpu.memory_space<vmem>> -> memref<8x256xi32, #tpu.memory_space<vmem>>
      %dma_wait3A_92 = arith.constant 0 : i32
      %dma_wait3A_93 = tpu.memref_slice %arg2[%dma_wait3A_92, %mul3A_2] : memref<200x16384xi32, #tpu.memory_space<hbm>> -> memref<8x256xi32, #tpu.memory_space<hbm>>
      %dma_wait3A_94 = arith.constant 0 : i32
      %dma_wait3A_95 = arith.constant 0 : i32
      %dma_wait3A_96 = tpu.memref_slice %arg5[%dma_wait3A_94, %dma_wait3A_95] : memref<200x256xi32, #tpu.memory_space<vmem>> -> memref<8x256xi32, #tpu.memory_space<vmem>>
      %dma_wait3A_97 = arith.constant 0 : i32
      %dma_wait3A_98 = tpu.memref_slice %arg2[%dma_wait3A_97, %mul3A_2] : memref<200x16384xi32, #tpu.memory_space<hbm>> -> memref<8x256xi32, #tpu.memory_space<hbm>>
      tpu.wait_dma2 semaphore(%arg8 : memref<!tpu.dma_semaphore, #tpu.memory_space<semaphore_mem>>) src(%dma_wait3A_98 : memref<8x256xi32, #tpu.memory_space<hbm>>) dst(%dma_wait3A_96 : memref<8x256xi32, #tpu.memory_space<vmem>>)
      %add3A_99 = arith.constant 6 : i32
      %add3A_100 = arith.addi %scan3A_88, %add3A_99 : i32
      %lt3A = arith.constant 25 : i32
      %lt3A_101 = arith.cmpi slt, %add3A_100, %lt3A : i32
      %convert_element_type3A = arith.extui %lt3A_101 : i1 to i32
      %cond3A = arith.constant 0 : i32
      %cond3A_102 = arith.cmpi ne, %convert_element_type3A, %cond3A : i32
      scf.if %cond3A_102 {
        %add3A_111 = arith.constant 6 : i32
        %add3A_112 = arith.addi %scan3A_88, %add3A_111 : i32
        %mul3A_113 = arith.constant 8 : i32
        %mul3A_114 = arith.muli %add3A_112, %mul3A_113 : i32
        %mul3A_115 = arith.constant 8 : i32
        %mul3A_116 = arith.muli %add3A_112, %mul3A_115 : i32
        %dma_start3A_117 = arith.constant 0 : i32
        %dma_start3A_118 = tpu.memref_slice %arg5[%mul3A_116, %dma_start3A_117] : memref<200x256xi32, #tpu.memory_space<vmem>> -> memref<8x256xi32, #tpu.memory_space<vmem>>
        %dma_start3A_119 = tpu.memref_slice %arg2[%mul3A_114, %mul3A_2] : memref<200x16384xi32, #tpu.memory_space<hbm>> -> memref<8x256xi32, #tpu.memory_space<hbm>>
        %dma_start3A_120 = arith.constant 0 : i32
        %dma_start3A_121 = tpu.memref_slice %arg5[%mul3A_116, %dma_start3A_120] : memref<200x256xi32, #tpu.memory_space<vmem>> -> memref<8x256xi32, #tpu.memory_space<vmem>>
        %dma_start3A_122 = tpu.memref_slice %arg2[%mul3A_114, %mul3A_2] : memref<200x16384xi32, #tpu.memory_space<hbm>> -> memref<8x256xi32, #tpu.memory_space<hbm>>
        tpu.enqueue_dma source(%dma_start3A_122 : memref<8x256xi32, #tpu.memory_space<hbm>>) target(%dma_start3A_121 : memref<8x256xi32, #tpu.memory_space<vmem>>) target_semaphore(%arg8 : memref<!tpu.dma_semaphore, #tpu.memory_space<semaphore_mem>>)
      } else {
      }
      %scan3A_103 = arith.constant 0 : i32
      %scan3A_104 = arith.constant 0 : i32
      %scan3A_105 = arith.constant 16 : i32
      %scan3A_106 = arith.addi %scan3A_104, %scan3A_105 : i32
      %scan3A_107 = arith.constant 1 : i32
      %scan3A_108 = scf.for %scan3A_111 = %scan3A_104 to %scan3A_106 step %scan3A_107 iter_args(%scan3A_112 = %scan3A_103) -> (i32)  : i32 {
        %mul3A_113 = arith.constant 16 : i32
        %mul3A_114 = arith.muli %scan3A_111, %mul3A_113 : i32
        %mul3A_115 = arith.constant 8 : i32
        %mul3A_116 = arith.muli %scan3A_88, %mul3A_115 : i32
        %add3A_117 = arith.constant 0 : i32
        %add3A_118 = arith.addi %mul3A_116, %add3A_117 : i32
        %get3A_119 = arith.index_cast %add3A_118 : i32 to index
        %get3A_120 = arith.index_cast %mul3A_114 : i32 to index
        %get3A_121 = tpu.vector_load %arg5[%get3A_119, %get3A_120] {strides = array<i32>} : memref<200x256xi32, #tpu.memory_space<vmem>>, vector<16xi32>,
        %eq3A = arith.constant 1 : i32
        %eq3A_122 = vector.broadcast %eq3A : i32 to vector<16xi32>
        %eq3A_123 = arith.cmpi eq, %get3A_121, %eq3A_122 : vector<16xi32>
        %select_n3A = arith.select %eq3A_123, %broadcast_in_dim3A_6, %broadcast_in_dim3A : vector<16xi1>, vector<16xf32>
        %eq3A_124 = arith.constant 2 : i32
        %eq3A_125 = vector.broadcast %eq3A_124 : i32 to vector<16xi32>
        %eq3A_126 = arith.cmpi eq, %get3A_121, %eq3A_125 : vector<16xi32>
        %select_n3A_127 = arith.select %eq3A_126, %broadcast_in_dim3A_9, %select_n3A : vector<16xi1>, vector<16xf32>
        %eq3A_128 = arith.constant 3 : i32
        %eq3A_129 = vector.broadcast %eq3A_128 : i32 to vector<16xi32>
        %eq3A_130 = arith.cmpi eq, %get3A_121, %eq3A_129 : vector<16xi32>
        %select_n3A_131 = arith.select %eq3A_130, %broadcast_in_dim3A_12, %select_n3A_127 : vector<16xi1>, vector<16xf32>
        %eq3A_132 = arith.constant 4 : i32
        %eq3A_133 = vector.broadcast %eq3A_132 : i32 to vector<16xi32>
        %eq3A_134 = arith.cmpi eq, %get3A_121, %eq3A_133 : vector<16xi32>
        %select_n3A_135 = arith.select %eq3A_134, %broadcast_in_dim3A_15, %select_n3A_131 : vector<16xi1>, vector<16xf32>
        %mul3A_136 = arith.constant 8 : i32
        %mul3A_137 = arith.muli %scan3A_88, %mul3A_136 : i32
        %add3A_138 = arith.constant 1 : i32
        %add3A_139 = arith.addi %mul3A_137, %add3A_138 : i32
        %get3A_140 = arith.index_cast %add3A_139 : i32 to index
        %get3A_141 = arith.index_cast %mul3A_114 : i32 to index
        %get3A_142 = tpu.vector_load %arg5[%get3A_140, %get3A_141] {strides = array<i32>} : memref<200x256xi32, #tpu.memory_space<vmem>>, vector<16xi32>,
        %eq3A_143 = arith.constant 1 : i32
        %eq3A_144 = vector.broadcast %eq3A_143 : i32 to vector<16xi32>
        %eq3A_145 = arith.cmpi eq, %get3A_142, %eq3A_144 : vector<16xi32>
        %select_n3A_146 = arith.select %eq3A_145, %broadcast_in_dim3A_6, %broadcast_in_dim3A : vector<16xi1>, vector<16xf32>
        %eq3A_147 = arith.constant 2 : i32
        %eq3A_148 = vector.broadcast %eq3A_147 : i32 to vector<16xi32>
        %eq3A_149 = arith.cmpi eq, %get3A_142, %eq3A_148 : vector<16xi32>
        %select_n3A_150 = arith.select %eq3A_149, %broadcast_in_dim3A_9, %select_n3A_146 : vector<16xi1>, vector<16xf32>
        %eq3A_151 = arith.constant 3 : i32
        %eq3A_152 = vector.broadcast %eq3A_151 : i32 to vector<16xi32>
        %eq3A_153 = arith.cmpi eq, %get3A_142, %eq3A_152 : vector<16xi32>
        %select_n3A_154 = arith.select %eq3A_153, %broadcast_in_dim3A_12, %select_n3A_150 : vector<16xi1>, vector<16xf32>
        %eq3A_155 = arith.constant 4 : i32
        %eq3A_156 = vector.broadcast %eq3A_155 : i32 to vector<16xi32>
        %eq3A_157 = arith.cmpi eq, %get3A_142, %eq3A_156 : vector<16xi32>
        %select_n3A_158 = arith.select %eq3A_157, %broadcast_in_dim3A_15, %select_n3A_154 : vector<16xi1>, vector<16xf32>
        %mul3A_159 = arith.constant 8 : i32
        %mul3A_160 = arith.muli %scan3A_88, %mul3A_159 : i32
        %add3A_161 = arith.constant 2 : i32
        %add3A_162 = arith.addi %mul3A_160, %add3A_161 : i32
        %get3A_163 = arith.index_cast %add3A_162 : i32 to index
        %get3A_164 = arith.index_cast %mul3A_114 : i32 to index
        %get3A_165 = tpu.vector_load %arg5[%get3A_163, %get3A_164] {strides = array<i32>} : memref<200x256xi32, #tpu.memory_space<vmem>>, vector<16xi32>,
        %eq3A_166 = arith.constant 1 : i32
        %eq3A_167 = vector.broadcast %eq3A_166 : i32 to vector<16xi32>
        %eq3A_168 = arith.cmpi eq, %get3A_165, %eq3A_167 : vector<16xi32>
        %select_n3A_169 = arith.select %eq3A_168, %broadcast_in_dim3A_6, %broadcast_in_dim3A : vector<16xi1>, vector<16xf32>
        %eq3A_170 = arith.constant 2 : i32
        %eq3A_171 = vector.broadcast %eq3A_170 : i32 to vector<16xi32>
        %eq3A_172 = arith.cmpi eq, %get3A_165, %eq3A_171 : vector<16xi32>
        %select_n3A_173 = arith.select %eq3A_172, %broadcast_in_dim3A_9, %select_n3A_169 : vector<16xi1>, vector<16xf32>
        %eq3A_174 = arith.constant 3 : i32
        %eq3A_175 = vector.broadcast %eq3A_174 : i32 to vector<16xi32>
        %eq3A_176 = arith.cmpi eq, %get3A_165, %eq3A_175 : vector<16xi32>
        %select_n3A_177 = arith.select %eq3A_176, %broadcast_in_dim3A_12, %select_n3A_173 : vector<16xi1>, vector<16xf32>
        %eq3A_178 = arith.constant 4 : i32
        %eq3A_179 = vector.broadcast %eq3A_178 : i32 to vector<16xi32>
        %eq3A_180 = arith.cmpi eq, %get3A_165, %eq3A_179 : vector<16xi32>
        %select_n3A_181 = arith.select %eq3A_180, %broadcast_in_dim3A_15, %select_n3A_177 : vector<16xi1>, vector<16xf32>
        %mul3A_182 = arith.constant 8 : i32
        %mul3A_183 = arith.muli %scan3A_88, %mul3A_182 : i32
        %add3A_184 = arith.constant 3 : i32
        %add3A_185 = arith.addi %mul3A_183, %add3A_184 : i32
        %get3A_186 = arith.index_cast %add3A_185 : i32 to index
        %get3A_187 = arith.index_cast %mul3A_114 : i32 to index
        %get3A_188 = tpu.vector_load %arg5[%get3A_186, %get3A_187] {strides = array<i32>} : memref<200x256xi32, #tpu.memory_space<vmem>>, vector<16xi32>,
        %eq3A_189 = arith.constant 1 : i32
        %eq3A_190 = vector.broadcast %eq3A_189 : i32 to vector<16xi32>
        %eq3A_191 = arith.cmpi eq, %get3A_188, %eq3A_190 : vector<16xi32>
        %select_n3A_192 = arith.select %eq3A_191, %broadcast_in_dim3A_6, %broadcast_in_dim3A : vector<16xi1>, vector<16xf32>
        %eq3A_193 = arith.constant 2 : i32
        %eq3A_194 = vector.broadcast %eq3A_193 : i32 to vector<16xi32>
        %eq3A_195 = arith.cmpi eq, %get3A_188, %eq3A_194 : vector<16xi32>
        %select_n3A_196 = arith.select %eq3A_195, %broadcast_in_dim3A_9, %select_n3A_192 : vector<16xi1>, vector<16xf32>
        %eq3A_197 = arith.constant 3 : i32
        %eq3A_198 = vector.broadcast %eq3A_197 : i32 to vector<16xi32>
        %eq3A_199 = arith.cmpi eq, %get3A_188, %eq3A_198 : vector<16xi32>
        %select_n3A_200 = arith.select %eq3A_199, %broadcast_in_dim3A_12, %select_n3A_196 : vector<16xi1>, vector<16xf32>
        %eq3A_201 = arith.constant 4 : i32
        %eq3A_202 = vector.broadcast %eq3A_201 : i32 to vector<16xi32>
        %eq3A_203 = arith.cmpi eq, %get3A_188, %eq3A_202 : vector<16xi32>
        %select_n3A_204 = arith.select %eq3A_203, %broadcast_in_dim3A_15, %select_n3A_200 : vector<16xi1>, vector<16xf32>
        %mul3A_205 = arith.constant 8 : i32
        %mul3A_206 = arith.muli %scan3A_88, %mul3A_205 : i32
        %add3A_207 = arith.constant 4 : i32
        %add3A_208 = arith.addi %mul3A_206, %add3A_207 : i32
        %get3A_209 = arith.index_cast %add3A_208 : i32 to index
        %get3A_210 = arith.index_cast %mul3A_114 : i32 to index
        %get3A_211 = tpu.vector_load %arg5[%get3A_209, %get3A_210] {strides = array<i32>} : memref<200x256xi32, #tpu.memory_space<vmem>>, vector<16xi32>,
        %eq3A_212 = arith.constant 1 : i32
        %eq3A_213 = vector.broadcast %eq3A_212 : i32 to vector<16xi32>
        %eq3A_214 = arith.cmpi eq, %get3A_211, %eq3A_213 : vector<16xi32>
        %select_n3A_215 = arith.select %eq3A_214, %broadcast_in_dim3A_6, %broadcast_in_dim3A : vector<16xi1>, vector<16xf32>
        %eq3A_216 = arith.constant 2 : i32
        %eq3A_217 = vector.broadcast %eq3A_216 : i32 to vector<16xi32>
        %eq3A_218 = arith.cmpi eq, %get3A_211, %eq3A_217 : vector<16xi32>
        %select_n3A_219 = arith.select %eq3A_218, %broadcast_in_dim3A_9, %select_n3A_215 : vector<16xi1>, vector<16xf32>
        %eq3A_220 = arith.constant 3 : i32
        %eq3A_221 = vector.broadcast %eq3A_220 : i32 to vector<16xi32>
        %eq3A_222 = arith.cmpi eq, %get3A_211, %eq3A_221 : vector<16xi32>
        %select_n3A_223 = arith.select %eq3A_222, %broadcast_in_dim3A_12, %select_n3A_219 : vector<16xi1>, vector<16xf32>
        %eq3A_224 = arith.constant 4 : i32
        %eq3A_225 = vector.broadcast %eq3A_224 : i32 to vector<16xi32>
        %eq3A_226 = arith.cmpi eq, %get3A_211, %eq3A_225 : vector<16xi32>
        %select_n3A_227 = arith.select %eq3A_226, %broadcast_in_dim3A_15, %select_n3A_223 : vector<16xi1>, vector<16xf32>
        %mul3A_228 = arith.constant 8 : i32
        %mul3A_229 = arith.muli %scan3A_88, %mul3A_228 : i32
        %add3A_230 = arith.constant 5 : i32
        %add3A_231 = arith.addi %mul3A_229, %add3A_230 : i32
        %get3A_232 = arith.index_cast %add3A_231 : i32 to index
        %get3A_233 = arith.index_cast %mul3A_114 : i32 to index
        %get3A_234 = tpu.vector_load %arg5[%get3A_232, %get3A_233] {strides = array<i32>} : memref<200x256xi32, #tpu.memory_space<vmem>>, vector<16xi32>,
        %eq3A_235 = arith.constant 1 : i32
        %eq3A_236 = vector.broadcast %eq3A_235 : i32 to vector<16xi32>
        %eq3A_237 = arith.cmpi eq, %get3A_234, %eq3A_236 : vector<16xi32>
        %select_n3A_238 = arith.select %eq3A_237, %broadcast_in_dim3A_6, %broadcast_in_dim3A : vector<16xi1>, vector<16xf32>
        %eq3A_239 = arith.constant 2 : i32
        %eq3A_240 = vector.broadcast %eq3A_239 : i32 to vector<16xi32>
        %eq3A_241 = arith.cmpi eq, %get3A_234, %eq3A_240 : vector<16xi32>
        %select_n3A_242 = arith.select %eq3A_241, %broadcast_in_dim3A_9, %select_n3A_238 : vector<16xi1>, vector<16xf32>
        %eq3A_243 = arith.constant 3 : i32
        %eq3A_244 = vector.broadcast %eq3A_243 : i32 to vector<16xi32>
        %eq3A_245 = arith.cmpi eq, %get3A_234, %eq3A_244 : vector<16xi32>
        %select_n3A_246 = arith.select %eq3A_245, %broadcast_in_dim3A_12, %select_n3A_242 : vector<16xi1>, vector<16xf32>
        %eq3A_247 = arith.constant 4 : i32
        %eq3A_248 = vector.broadcast %eq3A_247 : i32 to vector<16xi32>
        %eq3A_249 = arith.cmpi eq, %get3A_234, %eq3A_248 : vector<16xi32>
        %select_n3A_250 = arith.select %eq3A_249, %broadcast_in_dim3A_15, %select_n3A_246 : vector<16xi1>, vector<16xf32>
        %mul3A_251 = arith.constant 8 : i32
        %mul3A_252 = arith.muli %scan3A_88, %mul3A_251 : i32
        %add3A_253 = arith.constant 6 : i32
        %add3A_254 = arith.addi %mul3A_252, %add3A_253 : i32
        %get3A_255 = arith.index_cast %add3A_254 : i32 to index
        %get3A_256 = arith.index_cast %mul3A_114 : i32 to index
        %get3A_257 = tpu.vector_load %arg5[%get3A_255, %get3A_256] {strides = array<i32>} : memref<200x256xi32, #tpu.memory_space<vmem>>, vector<16xi32>,
        %eq3A_258 = arith.constant 1 : i32
        %eq3A_259 = vector.broadcast %eq3A_258 : i32 to vector<16xi32>
        %eq3A_260 = arith.cmpi eq, %get3A_257, %eq3A_259 : vector<16xi32>
        %select_n3A_261 = arith.select %eq3A_260, %broadcast_in_dim3A_6, %broadcast_in_dim3A : vector<16xi1>, vector<16xf32>
        %eq3A_262 = arith.constant 2 : i32
        %eq3A_263 = vector.broadcast %eq3A_262 : i32 to vector<16xi32>
        %eq3A_264 = arith.cmpi eq, %get3A_257, %eq3A_263 : vector<16xi32>
        %select_n3A_265 = arith.select %eq3A_264, %broadcast_in_dim3A_9, %select_n3A_261 : vector<16xi1>, vector<16xf32>
        %eq3A_266 = arith.constant 3 : i32
        %eq3A_267 = vector.broadcast %eq3A_266 : i32 to vector<16xi32>
        %eq3A_268 = arith.cmpi eq, %get3A_257, %eq3A_267 : vector<16xi32>
        %select_n3A_269 = arith.select %eq3A_268, %broadcast_in_dim3A_12, %select_n3A_265 : vector<16xi1>, vector<16xf32>
        %eq3A_270 = arith.constant 4 : i32
        %eq3A_271 = vector.broadcast %eq3A_270 : i32 to vector<16xi32>
        %eq3A_272 = arith.cmpi eq, %get3A_257, %eq3A_271 : vector<16xi32>
        %select_n3A_273 = arith.select %eq3A_272, %broadcast_in_dim3A_15, %select_n3A_269 : vector<16xi1>, vector<16xf32>
        %mul3A_274 = arith.constant 8 : i32
        %mul3A_275 = arith.muli %scan3A_88, %mul3A_274 : i32
        %add3A_276 = arith.constant 7 : i32
        %add3A_277 = arith.addi %mul3A_275, %add3A_276 : i32
        %get3A_278 = arith.index_cast %add3A_277 : i32 to index
        %get3A_279 = arith.index_cast %mul3A_114 : i32 to index
        %get3A_280 = tpu.vector_load %arg5[%get3A_278, %get3A_279] {strides = array<i32>} : memref<200x256xi32, #tpu.memory_space<vmem>>, vector<16xi32>,
        %eq3A_281 = arith.constant 1 : i32
        %eq3A_282 = vector.broadcast %eq3A_281 : i32 to vector<16xi32>
        %eq3A_283 = arith.cmpi eq, %get3A_280, %eq3A_282 : vector<16xi32>
        %select_n3A_284 = arith.select %eq3A_283, %broadcast_in_dim3A_6, %broadcast_in_dim3A : vector<16xi1>, vector<16xf32>
        %eq3A_285 = arith.constant 2 : i32
        %eq3A_286 = vector.broadcast %eq3A_285 : i32 to vector<16xi32>
        %eq3A_287 = arith.cmpi eq, %get3A_280, %eq3A_286 : vector<16xi32>
        %select_n3A_288 = arith.select %eq3A_287, %broadcast_in_dim3A_9, %select_n3A_284 : vector<16xi1>, vector<16xf32>
        %eq3A_289 = arith.constant 3 : i32
        %eq3A_290 = vector.broadcast %eq3A_289 : i32 to vector<16xi32>
        %eq3A_291 = arith.cmpi eq, %get3A_280, %eq3A_290 : vector<16xi32>
        %select_n3A_292 = arith.select %eq3A_291, %broadcast_in_dim3A_12, %select_n3A_288 : vector<16xi1>, vector<16xf32>
        %eq3A_293 = arith.constant 4 : i32
        %eq3A_294 = vector.broadcast %eq3A_293 : i32 to vector<16xi32>
        %eq3A_295 = arith.cmpi eq, %get3A_280, %eq3A_294 : vector<16xi32>
        %select_n3A_296 = arith.select %eq3A_295, %broadcast_in_dim3A_15, %select_n3A_292 : vector<16xi1>, vector<16xf32>
        %add3A_297 = arith.addf %select_n3A_135, %select_n3A_158 : vector<16xf32>
        %add3A_298 = arith.addf %select_n3A_181, %select_n3A_204 : vector<16xf32>
        %add3A_299 = arith.addf %select_n3A_227, %select_n3A_250 : vector<16xf32>
        %add3A_300 = arith.addf %select_n3A_273, %select_n3A_296 : vector<16xf32>
        %add3A_301 = arith.addf %add3A_297, %add3A_298 : vector<16xf32>
        %add3A_302 = arith.addf %add3A_299, %add3A_300 : vector<16xf32>
        %add3A_303 = arith.addf %add3A_301, %add3A_302 : vector<16xf32>
        %swap3A = arith.index_cast %mul3A_114 : i32 to index
        %swap3A_304 = tpu.vector_load %arg7[%swap3A] {strides = array<i32>} : memref<256xf32, #tpu.memory_space<vmem>>, vector<16xf32>,
        tpu.vector_store %arg7[%swap3A], %add3A_303 {add = true, strides = array<i32>} : memref<256xf32, #tpu.memory_space<vmem>>, vector<16xf32>,
        %scan3A_305 = arith.constant 0 : i32
        scf.yield %scan3A_305 : i32
      }
      %scan3A_109 = arith.constant 16 : i32
      %scan3A_110 = arith.constant 0 : i32
      scf.yield %scan3A_110 : i32
    }
    %scan3A_87 = arith.constant 25 : i32
    "tpu.region"() ({
      %run_scoped3A = tpu.sem_alloc : memref<!tpu.dma_semaphore, #tpu.memory_space<semaphore_mem>>
      %dma_start3A_88 = tpu.memref_slice %arg4[%mul3A_2] : memref<8192xf32, #tpu.memory_space<hbm>> -> memref<256xf32, #tpu.memory_space<hbm>>
      %dma_start3A_89 = tpu.memref_slice %arg4[%mul3A_2] : memref<8192xf32, #tpu.memory_space<hbm>> -> memref<256xf32, #tpu.memory_space<hbm>>
      tpu.enqueue_dma source(%arg7 : memref<256xf32, #tpu.memory_space<vmem>>) target(%dma_start3A_89 : memref<256xf32, #tpu.memory_space<hbm>>) target_semaphore(%run_scoped3A : memref<!tpu.dma_semaphore, #tpu.memory_space<semaphore_mem>>)
      %dma_wait3A = tpu.memref_slice %arg4[%mul3A_2] : memref<8192xf32, #tpu.memory_space<hbm>> -> memref<256xf32, #tpu.memory_space<hbm>>
      %dma_wait3A_90 = tpu.memref_slice %arg4[%mul3A_2] : memref<8192xf32, #tpu.memory_space<hbm>> -> memref<256xf32, #tpu.memory_space<hbm>>
      tpu.wait_dma2 semaphore(%run_scoped3A : memref<!tpu.dma_semaphore, #tpu.memory_space<semaphore_mem>>) src(%arg7 : memref<256xf32, #tpu.memory_space<vmem>>) dst(%dma_wait3A_90 : memref<256xf32, #tpu.memory_space<hbm>>)
      tpu.yield
    }) : () -> ()
    return
  }
}

module attributes {stable_mosaic.version = 14 : i64} {
  func.func @_tc_body(%arg0: i32, %arg1: memref<1x128xf32, #tpu.memory_space<vmem>>, %arg2: memref<200x512xi32, #tpu.memory_space<vmem>>, %arg3: memref<1x512xf32, #tpu.memory_space<vmem>>) attributes {dimension_semantics = [#tpu.dimension_semantics<arbitrary>], iteration_bounds = array<i64: 16>, scalar_prefetch = 0 : i64, scratch_operands = 0 : i64, tpu.core_type = #tpu.core_type<tc>, window_params = [{pipeline_mode = #tpu.pipeline_mode<synchronous>, transform_indices = @transform_0, window_bounds = array<i64: 1, 128>}, {transform_indices = @transform_1, window_bounds = array<i64: 200, 512>}, {transform_indices = @transform_2, window_bounds = array<i64: 1, 512>}]} {
    %get3A = arith.constant 0 : index
    %get3A_0 = arith.constant 0 : index
    %get3A_1 = vector.load %arg2[%get3A, %get3A_0] : memref<200x512xi32, #tpu.memory_space<vmem>>, vector<200x512xi32>
    %get3A_2 = arith.constant 0 : index
    %get3A_3 = arith.constant 0 : index
    %get3A_4 = vector.load %arg1[%get3A_2, %get3A_3] : memref<1x128xf32, #tpu.memory_space<vmem>>, vector<1x1xf32>
    %get3A_5 = vector.extract %get3A_4[0, 0] : f32 from vector<1x1xf32>
    %get3A_6 = arith.constant 0 : index
    %get3A_7 = arith.constant 1 : index
    %get3A_8 = vector.load %arg1[%get3A_6, %get3A_7] : memref<1x128xf32, #tpu.memory_space<vmem>>, vector<1x1xf32>
    %get3A_9 = vector.extract %get3A_8[0, 0] : f32 from vector<1x1xf32>
    %get3A_10 = arith.constant 0 : index
    %get3A_11 = arith.constant 2 : index
    %get3A_12 = vector.load %arg1[%get3A_10, %get3A_11] : memref<1x128xf32, #tpu.memory_space<vmem>>, vector<1x1xf32>
    %get3A_13 = vector.extract %get3A_12[0, 0] : f32 from vector<1x1xf32>
    %get3A_14 = arith.constant 0 : index
    %get3A_15 = arith.constant 3 : index
    %get3A_16 = vector.load %arg1[%get3A_14, %get3A_15] : memref<1x128xf32, #tpu.memory_space<vmem>>, vector<1x1xf32>
    %get3A_17 = vector.extract %get3A_16[0, 0] : f32 from vector<1x1xf32>
    %get3A_18 = arith.constant 0 : index
    %get3A_19 = arith.constant 4 : index
    %get3A_20 = vector.load %arg1[%get3A_18, %get3A_19] : memref<1x128xf32, #tpu.memory_space<vmem>>, vector<1x1xf32>
    %get3A_21 = vector.extract %get3A_20[0, 0] : f32 from vector<1x1xf32>
    %eq3A = arith.constant 1 : i32
    %eq3A_22 = vector.broadcast %eq3A : i32 to vector<200x512xi32>
    %eq3A_23 = arith.cmpi eq, %get3A_1, %eq3A_22 : vector<200x512xi32>
    %broadcast_in_dim3A = vector.broadcast %get3A_9 : f32 to vector<200x512xf32>
    %broadcast_in_dim3A_24 = vector.broadcast %get3A_5 : f32 to vector<200x512xf32>
    %select_n3A = arith.select %eq3A_23, %broadcast_in_dim3A, %broadcast_in_dim3A_24 : vector<200x512xi1>, vector<200x512xf32>
    %eq3A_25 = arith.constant 2 : i32
    %eq3A_26 = vector.broadcast %eq3A_25 : i32 to vector<200x512xi32>
    %eq3A_27 = arith.cmpi eq, %get3A_1, %eq3A_26 : vector<200x512xi32>
    %broadcast_in_dim3A_28 = vector.broadcast %get3A_13 : f32 to vector<200x512xf32>
    %select_n3A_29 = arith.select %eq3A_27, %broadcast_in_dim3A_28, %select_n3A : vector<200x512xi1>, vector<200x512xf32>
    %eq3A_30 = arith.constant 3 : i32
    %eq3A_31 = vector.broadcast %eq3A_30 : i32 to vector<200x512xi32>
    %eq3A_32 = arith.cmpi eq, %get3A_1, %eq3A_31 : vector<200x512xi32>
    %broadcast_in_dim3A_33 = vector.broadcast %get3A_17 : f32 to vector<200x512xf32>
    %select_n3A_34 = arith.select %eq3A_32, %broadcast_in_dim3A_33, %select_n3A_29 : vector<200x512xi1>, vector<200x512xf32>
    %eq3A_35 = arith.constant 4 : i32
    %eq3A_36 = vector.broadcast %eq3A_35 : i32 to vector<200x512xi32>
    %eq3A_37 = arith.cmpi eq, %get3A_1, %eq3A_36 : vector<200x512xi32>
    %broadcast_in_dim3A_38 = vector.broadcast %get3A_21 : f32 to vector<200x512xf32>
    %select_n3A_39 = arith.select %eq3A_37, %broadcast_in_dim3A_38, %select_n3A_34 : vector<200x512xi1>, vector<200x512xf32>
    %reduce_sum3A = arith.constant dense<0.000000e+00> : vector<512xf32>
    %reduce_sum3A_40 = vector.multi_reduction <add>, %select_n3A_39, %reduce_sum3A [0] : vector<200x512xf32> to vector<512xf32>
    %broadcast_in_dim3A_41 = vector.shape_cast %reduce_sum3A_40 : vector<512xf32> to vector<1x512xf32>
    %swap3A = arith.constant 0 : index
    %swap3A_42 = arith.constant 0 : index
    %swap3A_43 = vector.load %arg3[%swap3A, %swap3A_42] : memref<1x512xf32, #tpu.memory_space<vmem>>, vector<1x512xf32>
    tpu.vector_store %arg3[%swap3A, %swap3A_42], %broadcast_in_dim3A_41 {strides = array<i32>} : memref<1x512xf32, #tpu.memory_space<vmem>>, vector<1x512xf32>,
    return
  }
  func.func @transform_0(%arg0: i32) -> (i32, i32) {
    %c0_i32 = arith.constant 0 : i32
    %c0_i32_0 = arith.constant 0 : i32
    %c0_i32_1 = arith.constant 0 : i32
    return %c0_i32, %c0_i32_0 : i32, i32
  }
  func.func @transform_1(%arg0: i32) -> (i32, i32) {
    %add3A = arith.constant 16 : i32
    %add3A_0 = arith.addi %add3A, %arg0 : i32
    %c0_i32 = arith.constant 0 : i32
    %c0_i32_1 = arith.constant 0 : i32
    return %c0_i32, %add3A_0 : i32, i32
  }
  func.func @transform_2(%arg0: i32) -> (i32, i32) {
    %c0_i32 = arith.constant 0 : i32
    %c0_i32_0 = arith.constant 0 : i32
    return %c0_i32, %arg0 : i32, i32
  }
}

</mosaic_0001>

<sc_bundles>
// kernel: _call.4.cloned.1.call-start
scs
__scs_entry_jumppad:
0x0: {  	(pc) =	sbr.rel $0x88, $3  }
0x1: {  	(tag) =	ssettag $0x0;
	lr =	simm.s32 $0x1  }
0x2: {  	[smem:$0x3F9F] =	sst lr;
	_ =	strace $0xD0000000  }
0x3: {  	_ = 	snop  }
0x4: {  	_ = 	snop  }
0x5: {  	_ = 	snop  }
0x6: {  	_ = 	snop  }
0x7: {  	_ = 	snop  }
__scs_overlays_trampoline_lowered:
0x8: {  	[smem:$0x3FAE] =	sst s0  }
0x9: {  	[smem:$0x3FAF] =	sst s1  }
0xa: {  	[smem:$0x3FB0] =	sst s2  }
0xb: {  	[smem:$0x3FB1] =	sst s3  }
0xc: {  	[smem:$0x3FB2] =	sst s4  }
0xd: {  	[smem:$0x3FB3] =	sst s5  }
0xe: {  	[smem:$0x3FB4] =	sst s6  }
0xf: {  	[smem:$0x3FB5] =	sst s7  }
0x10: {  	[smem:$0x3FB6] =	sst s8  }
0x11: {  	[smem:$0x3FB7] =	sst s9;
	s0 =	simm.s32 @!p0 $0x0  }
0x12: {  	s1 =	sld [smem:$0x3F9D];
	s0 =	simm.s32 @p0 $0x1  }
0x13: {  	[smem:$0x3FB8] =	sst s0;
	s0 =	simm.s32 @!p1 $0x0  }
0x14: {  	s2 =	sld [smem:$0x3F9C];
	s0 =	simm.s32 @p1 $0x1  }
0x15: {  	[smem:$0x3FB9] =	sst s0;
	s0 =	simm.s32 @!p2 $0x0  }
0x16: {  	s3 =	sld [smem:$0x3FDB];
	s0 =	simm.s32 @p2 $0x1  }
0x17: {  	s4 =	simm.s32 $0x1BF5;
	[smem:$0x3FBB] =	sst s0  }
0x18: {  	s0 =	sld [smem:$0x3F9E];
	_ =	swait.ge [sflag:s4], $0x0  }
0x19: {  	s7 =	sld [smem:$0x3F9F]  }
0x1a: {  	s8 =	sadd.s32 $0xFFFFE003, lr  }
0x1b: {  	s9 =	sadd.s32 $0xFFFFFEF7, lr;
	s5 =	simm.s32 $0xFFFFFFFF;
	p2 =	slt.u32 s8, $0xFFFFF086  }
0x1c: {  	p1 =	slt.u32 s9, $0xF7A;
	s5 =	simm.s32 @!p2 $0x0  }
0x1d: {  	s5 =	simm.s32 @p1 $0x1;
	p0 =	seq.s32 s7, s2  }
0x1e: {  	s7 =	smul.u32 @!p0 $0xF7A, s2;
	p2 =	seq.s32 @!p0 s5, $0x0  }
0x1f: {  	s9 =	smul.u32 $0xF7A, s1;
	s8 =	simm.s32 @!p0 $0x1BF5;
	p2 =	por !p2, p0  }
0x20: {  	[sflag:s8] =	ssyncset.s32 @!p0 $0xFFFFF086;
	s6 =	sadd.s32 @!p0 s3, s7;
	s7 =	simm.s32 @!p0 $0x108  }
0x21: {  	s3 =	sadd.s32 s3, s9;
	s6 =	sadd.s32 @!p0 $0x88, s6;
	s7 =	simm.s32 @p2 $0x1082  }
0x22: {  	[simem:s7], [sflag:s8] =	dma.local @!p0 [hbm:s6], $0xF7A  }
0x23: {  	s9 =	sor.u32 $0xD0000000, s2;
	s6 =	simm.s32 $0x108;
	_ =	swait.ge @!p0 [sflag:s8], $0x0  }
0x24: {  	s3 =	sadd.s32 $0x88, s3;
	s6 =	simm.s32 @!p1 $0x1082;
	[sflag:s4] =	ssyncset.s32 $0xFFFFF086  }
0x25: {  	[simem:s6], [sflag:s4] =	dma.local [hbm:s3], $0xF7A  }
0x26: {  	[smem:$0x3F9F] =	sst s1;
	(tag) =	ssettag s2;
	_ =	strace s9  }
0x27: {  	s1 =	sld [smem:$0x3FAF]  }
0x28: {  	s2 =	sld [smem:$0x3FB0]  }
0x29: {  	s4 =	sld [smem:$0x3FB2]  }
0x2a: {  	p0 =	seq.s32 s5, $0x0;
	s5 =	sld [smem:$0x3FB3]  }
0x2b: {  	s6 =	sld [smem:$0x3FB4]  }
0x2c: {  	s7 =	sld [smem:$0x3FB5]  }
0x2d: {  	s3 =	simm.s32 $0x108;
	s8 =	sld [smem:$0x3FB6]  }
0x2e: {  	s3 =	simm.s32 @!p0 $0x1082;
	s9 =	sld [smem:$0x3FB7]  }
0x2f: {  	lr =	sadd.s32 s0, s3;
	s0 =	sld [smem:$0x3FAE]  }
0x30: {  	s3 =	sld [smem:$0x3FB1]  }
0x31: {  	[smem:$0x3FBA] =	sst s10  }
0x32: {  	s10 =	sld [smem:$0x3FB8];
	_ =	sdelay $0x3  }
0x33: {  	p0 =	seq.s32 s10, $0x1;
	s10 =	sld [smem:$0x3FBA];
	_ =	sdelay $0x3  }
0x34: {  	[smem:$0x3FBA] =	sst s10  }
0x35: {  	s10 =	sld [smem:$0x3FB9];
	_ =	sdelay $0x3  }
0x36: {  	p1 =	seq.s32 s10, $0x1;
	s10 =	sld [smem:$0x3FBA];
	_ =	sdelay $0x3  }
0x37: {  	[smem:$0x3FBA] =	sst s10  }
0x38: {  	s10 =	sld [smem:$0x3FBB]  }
0x39: {  	_ = 	snop;
	(pc) =	sbr.ind lr, $3  }
0x3a: {  	_ = 	snop  }
0x3b: {  	_ = 	snop  }
0x3c: {  	p2 =	seq.s32 s10, $0x1;
	s10 =	sld [smem:$0x3FBA]  }
0x3d: {  	_ =	shalt  }
0x3e: {  	_ =	shalt  }
0x3f: {  	_ =	shalt  }
0x40: {  	_ =	shalt  }
0x41: {  	_ =	shalt  }
0x42: {  	_ =	shalt  }
0x43: {  	_ =	shalt  }
0x44: {  	_ =	shalt  }
0x45: {  	_ =	shalt  }
0x46: {  	_ =	shalt  }
0x47: {  	_ =	shalt  }
0x48: {  	_ =	shalt  }
0x49: {  	_ =	shalt  }
0x4a: {  	_ =	shalt  }
0x4b: {  	_ =	shalt  }
0x4c: {  	_ =	shalt  }
0x4d: {  	_ =	shalt  }
0x4e: {  	_ =	shalt  }
0x4f: {  	_ =	shalt  }
0x50: {  	_ =	shalt  }
0x51: {  	_ =	shalt  }
0x52: {  	_ =	shalt  }
0x53: {  	_ =	shalt  }
0x54: {  	_ =	shalt  }
0x55: {  	_ =	shalt  }
0x56: {  	_ =	shalt  }
0x57: {  	_ =	shalt  }
0x58: {  	_ =	shalt  }
0x59: {  	_ =	shalt  }
0x5a: {  	_ =	shalt  }
0x5b: {  	_ =	shalt  }
0x5c: {  	_ =	shalt  }
0x5d: {  	_ =	shalt  }
0x5e: {  	_ =	shalt  }
0x5f: {  	_ =	shalt  }
0x60: {  	_ =	shalt  }
0x61: {  	_ =	shalt  }
0x62: {  	_ =	shalt  }
0x63: {  	_ =	shalt  }
0x64: {  	_ =	shalt  }
0x65: {  	_ =	shalt  }
0x66: {  	_ =	shalt  }
0x67: {  	_ =	shalt  }
0x68: {  	_ =	shalt  }
0x69: {  	_ =	shalt  }
0x6a: {  	_ =	shalt  }
0x6b: {  	_ =	shalt  }
0x6c: {  	_ =	shalt  }
0x6d: {  	_ =	shalt  }
0x6e: {  	_ =	shalt  }
0x6f: {  	_ =	shalt  }
0x70: {  	_ =	shalt  }
0x71: {  	_ =	shalt  }
0x72: {  	_ =	shalt  }
0x73: {  	_ =	shalt  }
0x74: {  	_ =	shalt  }
0x75: {  	_ =	shalt  }
0x76: {  	_ =	shalt  }
0x77: {  	_ =	shalt  }
0x78: {  	_ =	shalt  }
0x79: {  	_ =	shalt  }
0x7a: {  	_ =	shalt  }
0x7b: {  	_ =	shalt  }
0x7c: {  	_ =	shalt  }
0x7d: {  	_ =	shalt  }
0x7e: {  	_ =	shalt  }
0x7f: {  	_ =	shalt  }
0x80: {  	_ =	shalt  }
0x81: {  	_ =	shalt  }
0x82: {  	_ =	shalt  }
0x83: {  	_ =	shalt  }
0x84: {  	_ =	shalt  }
0x85: {  	_ =	shalt  }
0x86: {  	_ =	shalt  }
0x87: {  	_ =	shalt  }
.Lfunc_end0:
.L_simem_size_0:
called_computation_lowered:
.L_overlay_start_0:
0x88: {  	s2 =	sld [smem:$0x3FD9]  }
0x89: {  	s3 =	sld [smem:$0x3FFE];
	_ =	sdelay $0x1  }
0x8a: {  	s1 =	srdreg.scid  }
0x8b: {  	s0 =	sand.u32 $0x1, s1  }
0x8c: {  	s17 =	sshll.u32 s0, $0xA;
	s2 =	sadd.s32 s3, s2  }
0x8d: {  	s2 =	sadd.s32 s2, s17  }
0x8e: {  	[smem:$0x3FC6] =	sst s2  }
0x8f: {  	_ = 	snop  }
0x90: {  	s2 =	sld [smem:$0x3FC9]  }
0x91: {  	s18 =	sld [smem:$0x3FC8];
	(tm) =	ssettm $0x1  }
0x92: {  	s4 =	sld [smem:$0x3FFB];
	_ =	sdelay $0x3  }
0x93: {  	_ =	strace s4  }
0x94: {  	s4 =	sld [smem:$0x3FFC];
	_ =	sdelay $0x3  }
0x95: {  	_ =	strace s4  }
0x96: {  	s4 =	sld [smem:$0x3FFD];
	_ =	sdelay $0x3  }
0x97: {  	_ =	strace s4  }
0x98: {  	_ =	strace $0x8FFFFFFF  }
0x99: {  	s19 =	sld [smem:$0x3FDB];
	_ =	sdelay $0x1  }
0x9a: {  	s5 =	simm.s32 $_scs_section_size  }
0x9b: {  	s6 =	simm.s32 $_size__tile_overlayer_lowered;
	s7 =	simm.s32 $_tile_overlayer_lowered  }
0x9c: {  	s22 =	simm.s32 $0x1BFF;
	s21 =	sshll.u32 s7, $0x1;
	s4 =	sadd.s32 s5, s19  }
0x9d: {  	s8 =	simm.s32 $0x0;
	s20 =	sshll.u32 s6, $0x1;
	s6 =	sadd.s32 s21, s4  }
0x9e: {  	[timem:s8], [sflag:s22] =	dma.local [hbm:s6], s20  }
0x9f: {  	_ =	swait.ge [sflag:s22], s20  }
0xa0: {  	s5 =	ssub.s32 $0x0, s20;
	[sflag:s22] =	ssyncset.done $0x0  }
0xa1: {  	[sflag:s22] =	ssyncadd.s32 s5;
	_ =	sdelay $0x1  }
0xa2: {  	s23 =	simm.s32 $0x1B8B  }
0xa3: {  	_ =	swait.ge [sflag:s23], $0x1  }
0xa4: {  	[sflag:s23] =	ssyncset.done $0x0  }
0xa5: {  	s25 =	simm.s32 $0x1B8E;
	s24 =	sld [smem:$0x3FFE];
	[sflag:s23] =	ssyncadd.s32 $0xFFFFFFFF  }
0xa6: {  	s26 =	simm.s32 $execute0_lowered;
	[smem:$0x3FD2] =	sst s25  }
0xa7: {  	s6 =	sshll.u32 s26, $0x1;
	_ =	strace $0x80000046;
	[dreg:$0x1] =	wrdreg $0xFFFFFFFF  }
0xa8: {  	s28 =	simm.s32 $_size_execute0_lowered;
	s4 =	sadd.s32 s4, s6;
	[dreg:$0x0] =	wrdreg $0x0  }
0xa9: {  	s6 =	sshll.u32 s28, $0x1;
	[dreg:$0x2] =	wrdreg s4  }
0xaa: {  	[dreg:$0x3] =	wrdreg s6  }
0xab: {  	[dreg:$0x4] =	wrdreg $0xC0  }
0xac: {  	_ =	task [dreg:s8], $0x5FFFF  }
0xad: {  	[dreg:$0x1] =	wrdreg $0xFFFFFFFF  }
0xae: {  	[dreg:$0x0] =	wrdreg $0x60  }
0xaf: {  	[dreg:$0x2] =	wrdreg s2  }
0xb0: {  	[dreg:$0x3] =	wrdreg s18  }
0xb1: {  	[dreg:$0x4] =	wrdreg s24  }
0xb2: {  	[dreg:$0x5] =	wrdreg $0x9  }
0xb3: {  	_ =	task.clear_ibuf [dreg:s8], $0x6FFFF;
	_ =	strace $0x90000046  }
0xb4: {  	s29 =	simm.s32 $0x9;
	_ =	strace $0x80000048  }
0xb5: {  	_ =	swait.ge [sflag:s29], $0x1  }
0xb6: {  	[sflag:s29] =	ssyncadd.s32 $0xFFFFFFFF  }
0xb7: {  	_ =	strace $0x90000048  }
0xb8: {  	_ =	sfence  }
0xb9: {  	s30 =	sld [smem:$0x0];
	_ =	sdelay $0x2  }
0xba: {  	s31 =	sshll.u32 s1, $0xD;
	s1 =	sshrl.u32 s1, $0x2  }
0xbb: {  	s3 =	sand.u32 $0x4000, s31;
	s1 =	sadd.s32 s1, s30  }
0xbc: {  	s0 =	sor.u32 s3, s0;
	s1 =	sshll.u32 s1, $0x11  }
0xbd: {  	s0 =	sor.u32 s1, s0  }
0xbe: {  	s0 =	sadd.s32 $0x8F2B, s0  }
0xbf: {  	[sflag:s0] =	ssyncadd.remote.s32 $0x1  }
0xc0: {  	_ =	sfence.sel $0xFFFF  }
0xc1: {  	[dreg:$0x0] =	wrdreg $0xFFFFFFFF;
	(pc) =	sbr.abs _section_cstart, $3  }
0xc2: {  	[dreg:$0x1] =	wrdreg $0xFFFFFFFF  }
0xc3: {  	_ =	task.clear_ibuf [dreg:s8], $0x2FFFF;
	_ =	strace $0x9FFFFFFF  }
0xc4: {  	(tm) =	ssettm $0x7FFFFFFF  }
0xc5: {  	_ =	shalt  }
tec
execute0_lowered:
.L_overlay_start_1:
0x0: {  	(tag) =	ssettag $0x1  }
0x1: {  	s4 =	rddreg [dreg:$0x0]  }
0x2: {  	s2 =	rddreg [dreg:$0x1]  }
0x3: {  	s5 =	rddreg [dreg:$0x2];
	s3 =	srdreg.scid  }
0x4: {  	s0 =	rddreg [dreg:$0x3];
	s1 =	stileid.u32  }
0x5: {  	s12 =	simm.s32 $0xC800;
	s13 =	simm.s32 $0x2;
	s14 =	simm.s32 $0x800  }
0x6: {  	s15 =	simm.s32 $0x1000;
	s16 =	simm.s32 $0x1800;
	s17 =	simm.s32 $0x2000  }
0x7: {  	s18 =	simm.s32 $0x2800;
	s19 =	simm.s32 $0x1;
	s20 =	simm.s32 $0xC880  }
0x8: {  	s21 =	simm.s32 $0x0;
	s6 =	sand.u32 $0x1, s3;
	s3 =	simm.s32 $0x0  }
0x9: {  	s7 =	sshll.u32 s1, $0x9;
	s8 =	sshll.u32 s6, $0x8;
	[smem:$0x7FF] =	sst s3  }
0xa: {  	s6 =	ssub.s32 $0x2, s6;
	s7 =	sor.u32 s8, s7;
	_ =	strace $0x80000047  }
0xb: {  	s31 =	sshrl.u32 s6, $0x1;
	s8 =	sshrl.u32 s7, $0x3;
	s4 =	sadd.s32 s4, s7  }
0xc: {  	s11 =	ssub.s32 s6, s31;
	s10 =	sadd.s32 s8, s5;
	s5 =	sadd.s32 $0x4000, s4  }
0xd: {  	s6 =	sadd.s32 $0x8000, s4;
	s7 =	sadd.s32 $0xC000, s4;
	s8 =	sadd.s32 $0x10000, s4  }
0xe: {  	v0 =	vimm.f32 $0.0e+00;
	s9 =	sadd.s32 $0x14000, s4;
	s11 =	smax.u32 s11, $0x1;
	s10 =	sadd.s32 $0x800, s10  }
.LBB2_1:
0xf: {  	[tilespmem:s12], [sflag:$0x2] =	stream.linear.gather [hbm4b:s2+s3], $0x80, $0x38;
	[tilespmem:$0xC980] =	vst v63  }
0x10: {  	_ =	swait.ge [sflag:s13], $0x80  }
0x11: {  	[sflag:s13] =	ssyncset.done $0x0  }
0x12: {  	[sflag:s13] =	ssyncadd.s32 $0xFFFFFF80  }
0x13: {  	[tilespmem:$0xC880] =	vst v0  }
0x14: {  	[tilespmem:$0xC890] =	vst v0  }
0x15: {  	[tilespmem:$0xC8A0] =	vst v0  }
0x16: {  	[tilespmem:$0xC8B0] =	vst v0  }
0x17: {  	[tilespmem:$0xC8C0] =	vst v0  }
0x18: {  	[tilespmem:$0xC8D0] =	vst v0  }
0x19: {  	[tilespmem:$0xC8E0] =	vst v0  }
0x1a: {  	[tilespmem:$0xC8F0] =	vst v0  }
0x1b: {  	[tilespmem:$0xC900] =	vst v0  }
0x1c: {  	[tilespmem:$0xC910] =	vst v0  }
0x1d: {  	[tilespmem:$0xC920] =	vst v0  }
0x1e: {  	[tilespmem:$0xC930] =	vst v0  }
0x1f: {  	[tilespmem:$0xC940] =	vst v0  }
0x20: {  	[tilespmem:$0xC950] =	vst v0  }
0x21: {  	[tilespmem:$0xC960] =	vst v0  }
0x22: {  	[tilespmem:$0xC970] =	vst v0  }
0x23: {  	v5 =	vld [tilespmem:$0xC800];
	[tilespmem:s3], [sflag:$0x1] =	stream.linear.gather [hbm4b:s4+s3], $0x800, $0x38  }
0x24: {  	_ = 	snop  }
0x25: {  	[tilespmem:s14], [sflag:$0x1] =	stream.linear.gather [hbm4b:s5+s3], $0x800, $0x38;
	[tilespmem:$0xC980] =	vst v63  }
0x26: {  	_ = 	snop  }
0x27: {  	[tilespmem:s15], [sflag:$0x1] =	stream.linear.gather [hbm4b:s6+s3], $0x800, $0x38;
	[tilespmem:$0xC980] =	vst v63  }
0x28: {  	_ = 	snop  }
0x29: {  	[tilespmem:s16], [sflag:$0x1] =	stream.linear.gather [hbm4b:s7+s3], $0x800, $0x38;
	[tilespmem:$0xC980] =	vst v63  }
0x2a: {  	_ = 	snop  }
0x2b: {  	v1 =	vbroadcast v5, $0x0;
	[tilespmem:s17], [sflag:$0x1] =	stream.linear.gather [hbm4b:s8+s3], $0x800, $0x38;
	[tilespmem:$0xC980] =	vst v63  }
0x2c: {  	s22 =	simm.s32 $0x0;
	v2 =	vbroadcast v5, $0x1;
	v3 =	vbroadcast v5, $0x2  }
0x2d: {  	v4 =	vbroadcast v5, $0x3;
	v5 =	vbroadcast v5, $0x4;
	[tilespmem:s18], [sflag:$0x1] =	stream.linear.gather [hbm4b:s9+s3], $0x800, $0x38;
	[tilespmem:$0xC980] =	vst v63  }
.LBB2_2:
0x2e: {  	_ =	swait.ge [sflag:s19], $0x800;
	p0 =	sgt.u32 s22, $0x12  }
0x2f: {  	[sflag:s19] =	ssyncset.done $0x0;
	s23 =	sadd.s32 @!p0 $0x6, s22  }
0x30: {  	s25 =	simm.s32 @!p0 $0x0;
	s24 =	sshll.u32 @!p0 s23, $0xE;
	s23 =	sshll.u32 @!p0 s23, $0xB  }
0x31: {  	[sflag:s19] =	ssyncadd.s32 $0xFFFFF800;
	s24 =	sadd.s32 @!p0 s24, s4;
	s23 =	sand.u32 @!p0 $0x3FFFF800, s23  }
0x32: {  	[tilespmem:s23], [sflag:$0x1] =	stream.linear.gather @!p0 [hbm4b:s24+s25], $0x800, $0x38;
	[tilespmem:$0xC980] =	vst v63  }
0x33: {  	s26 =	simm.s32 $0x0;
	s25 =	sshll.u32 s22, $0xB  }
0x34: {  	s31 =	sand.u32 $0x400, s26;
	s23 =	sand.u32 $0x3FFFF800, s25  }
0x35: {  	s24 =	sand.u32 $0x70, s26;
	s25 =	sadd.s32 s31, s23  }
0x36: {  	s24 =	sadd.s32 s24, s25  }
0x37: {  	v6 =	vld [tilespmem:s24+$0x0]  }
0x38: {  	v7 =	vld [tilespmem:s24+$0x280]  }
0x39: {  	v8 =	vld [tilespmem:s24+$0x300]  }
0x3a: {  	v9 =	vld [tilespmem:s24+$0x180]  }
0x3b: {  	v11 =	vld [tilespmem:s24+$0x200];
	_ =	sdelay $0x1  }
0x3c: {  	vm0 =	veq.s32 v6, $0x1;
	vm1 =	veq.s32 v6, $0x2;
	vm10 =	veq.s32 v6, $0x3  }
0x3d: {  	vm11 =	veq.s32 v7, $0x1;
	vm12 =	veq.s32 v7, $0x2;
	vm13 =	veq.s32 v6, $0x4  }
0x3e: {  	vm14 =	veq.s32 v7, $0x3;
	vm15 =	veq.s32 v8, $0x1;
	vm4 =	veq.s32 v9, $0x1  }
0x3f: {  	vm5 =	veq.s32 v8, $0x2;
	vm6 =	veq.s32 v9, $0x2;
	vm7 =	veq.s32 v11, $0x1  }
0x40: {  	v17 =	vld [tilespmem:s24+$0x100];
	vm8 =	veq.s32 v9, $0x3;
	v10 =	vsel vm0, v2, v1;
	v12 =	vsel vm11, v2, v1  }
0x41: {  	v13 =	vsel vm15, v2, v1;
	v15 =	vsel vm4, v2, v1;
	v16 =	vsel vm7, v2, v1  }
0x42: {  	v14 =	vld [tilespmem:s24+$0x380];
	vm11 =	veq.s32 v9, $0x4;
	vm15 =	veq.s32 v11, $0x2;
	vm4 =	veq.s32 v8, $0x4  }
0x43: {  	vm7 =	veq.s32 v11, $0x3;
	v10 =	vsel vm1, v3, v10;
	v12 =	vsel vm12, v3, v12  }
0x44: {  	v13 =	vsel vm5, v3, v13;
	v15 =	vsel vm6, v3, v15;
	vm12 =	veq.s32 v8, $0x3  }
0x45: {  	v8 =	vsel vm15, v3, v16;
	vm6 =	veq.s32 v17, $0x1;
	vm15 =	veq.s32 v7, $0x4  }
0x46: {  	v6 =	vld [tilespmem:s24+$0x80];
	v10 =	vsel vm10, v4, v10;
	v12 =	vsel vm14, v4, v12;
	v15 =	vsel vm8, v4, v15  }
0x47: {  	v13 =	vsel vm12, v4, v13;
	vm14 =	veq.s32 v14, $0x1;
	v60 =	vsel vm6, v2, v1  }
0x48: {  	vm8 =	veq.s32 v14, $0x2;
	v8 =	vsel vm7, v4, v8;
	vm12 =	veq.s32 v11, $0x4  }
0x49: {  	v10 =	vsel vm13, v5, v10;
	v9 =	vsel vm11, v5, v15;
	v59 =	vsel vm14, v2, v1  }
0x4a: {  	v13 =	vsel vm4, v5, v13;
	vm11 =	veq.s32 v17, $0x3;
	v8 =	vsel vm12, v5, v8  }
0x4b: {  	vm14 =	veq.s32 v17, $0x4;
	v7 =	vsel vm15, v5, v12;
	vm9 =	veq.s32 v6, $0x1  }
0x4c: {  	vm10 =	veq.s32 v6, $0x2;
	vm13 =	veq.s32 v6, $0x3;
	v18 =	vsel vm9, v2, v1  }
0x4d: {  	vm5 =	veq.s32 v6, $0x4;
	v61 =	vsel vm8, v3, v59;
	v58 =	vsel vm10, v3, v18  }
0x4e: {  	v7 =	vadd.f32 v7, v8;
	vm9 =	veq.s32 v17, $0x2;
	v15 =	vsel vm13, v4, v58  }
0x4f: {  	vm10 =	veq.s32 v14, $0x3;
	v6 =	vsel vm5, v5, v15;
	v15 =	vsel vm9, v3, v60  }
0x50: {  	v16 =	vsel vm10, v4, v61;
	vm13 =	veq.s32 v14, $0x4;
	v62 =	vsel vm11, v4, v15  }
0x51: {  	v14 =	vsel vm13, v5, v16;
	v6 =	vadd.f32 v6, v10;
	v11 =	vsel vm14, v5, v62  }
0x52: {  	v63 =	vadd.f32 v14, v13;
	v9 =	vadd.f32 v9, v11  }
0x53: {  	s26 =	simm.s32 $0x80  }
0x54: {  	s28 =	simm.s32 $0xC880;
	s31 =	sand.u32 $0x400, s26;
	s25 =	simm.s32 $0x10;
	v7 =	vadd.f32 v63, v7;
	v6 =	vadd.f32 v9, v6  }
0x55: {  	s29 =	simm.s32 $0xC890;
	s24 =	sand.u32 $0x70, s25;
	s25 =	sadd.s32 s31, s23  }
0x56: {  	s30 =	simm.s32 $0x20;
	s25 =	sadd.s32 s24, s25;
	s24 =	simm.s32 $0xC890;
	v6 =	vadd.f32 v7, v6  }
.LBB2_3:
0x57: {  	_ = 	snop  }
0x58: {  	[tilespmem:s28+$0x0] =	vst.add.f32.msk $0xffff, v6  }
0x59: {  	v6 =	vld [tilespmem:s25+$0x0]  }
0x5a: {  	v7 =	vld [tilespmem:s25+$0x280]  }
0x5b: {  	v8 =	vld [tilespmem:s25+$0x200]  }
0x5c: {  	v9 =	vld [tilespmem:s25+$0x300]  }
0x5d: {  	v10 =	vld [tilespmem:s25+$0x180]  }
0x5e: {  	v11 =	vld [tilespmem:s25+$0x80]  }
0x5f: {  	v13 =	vimm.s32 $0x0;
	v56 =	vimm.s32 $0x0;
	v14 =	vld [tilespmem:s25+$0x100];
	vm0 =	veq.s32 v6, $0x1  }
0x60: {  	vm2 =	veq.s32 v6, $0x2;
	vm3 =	veq.s32 v6, $0x4;
	vm4 =	veq.s32 v6, $0x3  }
0x61: {  	vm6 =	veq.s32 v7, $0x2;
	vm13 =	veq.s32 v8, $0x2;
	vm14 =	veq.s32 v8, $0x3  }
0x62: {  	vm5 =	veq.s32 v7, $0x1;
	vm7 =	veq.s32 v8, $0x1;
	vm15 =	veq.s32 v7, $0x3  }
0x63: {  	vm8 =	veq.s32 v9, $0x1;
	vm9 =	veq.s32 v10, $0x1;
	vm10 =	veq.s32 v10, $0x3  }
0x64: {  	vm11 =	veq.s32 v9, $0x2;
	vm12 =	veq.s32 v11, $0x2;
	vm1 =	veq.s32 v14, $0x4  }
0x65: {  	v12 =	vsel vm0, v2, v1;
	v13 =	vsel vm13, $0xFFFFFFFF, v13;
	v57 =	vsel vm5, v2, v1  }
0x66: {  	vm5 =	veq.s32 v9, $0x3;
	v15 =	vsel vm8, v2, v1;
	vm13 =	veq.s32 v10, $0x2  }
0x67: {  	vm0 =	veq.s32 v11, $0x1;
	vm8 =	veq.s32 v8, $0x4;
	[tilespmem:$0x1FFE0] =	vst v13;
	v13 =	vsel vm14, $0xFFFFFFFF, v56  }
0x68: {  	v12 =	vsel vm2, v3, v12;
	vm14 =	veq.s32 v10, $0x4;
	v8 =	vsel vm11, v3, v15  }
0x69: {  	v6 =	vld [tilespmem:s25+$0x380];
	vm11 =	veq.s32 v11, $0x4;
	v58 =	vsel vm0, v2, v1;
	vm0 =	veq.s32 v14, $0x3  }
0x6a: {  	[tilespmem:$0x1FFF0] =	vst v13;
	v12 =	vsel vm4, v4, v12;
	v13 =	vsel vm6, v3, v57;
	vm6 =	veq.s32 v11, $0x3  }
0x6b: {  	vm4 =	veq.s32 v7, $0x4;
	v7 =	vsel vm9, v2, v1;
	vm9 =	veq.s32 v9, $0x4  }
0x6c: {  	v9 =	vsel vm12, v3, v58;
	v8 =	vsel vm5, v4, v8;
	v12 =	vsel vm3, v5, v12  }
0x6d: {  	v13 =	vsel vm15, v4, v13;
	v7 =	vsel vm13, v3, v7;
	v9 =	vsel vm6, v4, v9  }
0x6e: {  	v60 =	vld [tilespmem:$0x1FFE0];
	v8 =	vsel vm9, v5, v8;
	vm3 =	veq.s32 v6, $0x3;
	vm2 =	veq.s32 v6, $0x4  }
0x6f: {  	v62 =	vld [tilespmem:$0x1FFF0];
	vm15 =	veq.s32 v6, $0x1;
	vm13 =	veq.s32 v6, $0x2;
	v6 =	vsel vm10, v4, v7  }
0x70: {  	v7 =	vsel vm7, v2, v1;
	vm10 =	veq.s32 v14, $0x2;
	v9 =	vsel vm11, v5, v9  }
0x71: {  	v63 =	vsel vm4, v5, v13;
	v6 =	vsel vm14, v5, v6;
	vm14 =	veq.s32 v14, $0x1  }
0x72: {  	v59 =	vsel vm15, v2, v1;
	v9 =	vadd.f32 v9, v12;
	v61 =	vsel vm14, v2, v1  }
0x73: {  	v10 =	vsel vm13, v3, v59;
	vm12 =	vnez.u8 v60;
	v11 =	vsel vm10, v3, v61  }
0x74: {  	v10 =	vsel vm3, v4, v10;
	v7 =	vsel vm12, v3, v7;
	vm15 =	vnez.u8 v62  }
0x75: {  	v11 =	vsel vm0, v4, v11;
	v10 =	vsel vm2, v5, v10;
	v7 =	vsel vm15, v4, v7  }
0x76: {  	p0 =	sne.s32 s30, $0xF0;
	v11 =	vsel vm1, v5, v11;
	v8 =	vadd.f32 v10, v8;
	v7 =	vsel vm8, v5, v7  }
.Ltmp0:
0x77: {  	v6 =	vadd.f32 v6, v11;
	v7 =	vadd.f32 v63, v7;
	(pc) =	sbr.rel @p0 .LBB2_3-.Ltmp0, $4  }
0x78: {  	s26 =	sadd.s32 $0x80, s26  }
0x79: {  	s29 =	sadd.s32 $0x10, s29;
	s31 =	smov.u32 s30;
	s25 =	sand.u32 $0x400, s26;
	v6 =	vadd.f32 v6, v9;
	v7 =	vadd.f32 v8, v7  }
0x7a: {  	s30 =	sadd.s32 $0x10, s30;
	s31 =	sand.u32 $0x70, s31;
	s25 =	sadd.s32 s25, s23  }
0x7b: {  	s28 =	smov.u32 s24;
	s24 =	smov.u32 s29;
	s25 =	sadd.s32 s31, s25;
	v6 =	vadd.f32 v7, v6  }
0x7c: {  	_ = 	snop  }
0x7d: {  	[tilespmem:s28+$0x0] =	vst.add.f32.msk $0xffff, v6  }
0x7e: {  	v6 =	vld [tilespmem:s25+$0x0]  }
0x7f: {  	v7 =	vld [tilespmem:s25+$0x280]  }
0x80: {  	v8 =	vld [tilespmem:s25+$0x300]  }
0x81: {  	v9 =	vld [tilespmem:s25+$0x180]  }
0x82: {  	v11 =	vld [tilespmem:s25+$0x200];
	_ =	sdelay $0x1  }
0x83: {  	vm0 =	veq.s32 v6, $0x1;
	vm1 =	veq.s32 v6, $0x2;
	vm10 =	veq.s32 v6, $0x3  }
0x84: {  	vm11 =	veq.s32 v7, $0x1;
	vm12 =	veq.s32 v7, $0x2;
	vm13 =	veq.s32 v6, $0x4  }
0x85: {  	vm14 =	veq.s32 v7, $0x3;
	vm15 =	veq.s32 v8, $0x1;
	vm4 =	veq.s32 v9, $0x1  }
0x86: {  	vm5 =	veq.s32 v8, $0x2;
	vm6 =	veq.s32 v9, $0x2;
	vm7 =	veq.s32 v11, $0x1  }
0x87: {  	v17 =	vld [tilespmem:s25+$0x100];
	vm8 =	veq.s32 v9, $0x3;
	v10 =	vsel vm0, v2, v1;
	v12 =	vsel vm11, v2, v1  }
0x88: {  	v13 =	vsel vm15, v2, v1;
	v15 =	vsel vm4, v2, v1;
	v16 =	vsel vm7, v2, v1  }
0x89: {  	v14 =	vld [tilespmem:s25+$0x380];
	vm11 =	veq.s32 v9, $0x4;
	vm15 =	veq.s32 v11, $0x2;
	vm4 =	veq.s32 v8, $0x4  }
0x8a: {  	vm7 =	veq.s32 v11, $0x3;
	v10 =	vsel vm1, v3, v10;
	v12 =	vsel vm12, v3, v12  }
0x8b: {  	v13 =	vsel vm5, v3, v13;
	v15 =	vsel vm6, v3, v15;
	vm12 =	veq.s32 v8, $0x3  }
0x8c: {  	v59 =	vsel vm15, v3, v16;
	vm6 =	veq.s32 v17, $0x1;
	vm15 =	veq.s32 v7, $0x4  }
0x8d: {  	v6 =	vld [tilespmem:s25+$0x80];
	v10 =	vsel vm10, v4, v10;
	v12 =	vsel vm14, v4, v12;
	v15 =	vsel vm8, v4, v15  }
0x8e: {  	v13 =	vsel vm12, v4, v13;
	vm14 =	veq.s32 v14, $0x1;
	v60 =	vsel vm6, v2, v1  }
0x8f: {  	vm8 =	veq.s32 v14, $0x2;
	v8 =	vsel vm7, v4, v59;
	vm12 =	veq.s32 v11, $0x4  }
0x90: {  	v10 =	vsel vm13, v5, v10;
	v9 =	vsel vm11, v5, v15;
	v58 =	vsel vm14, v2, v1  }
0x91: {  	v13 =	vsel vm4, v5, v13;
	vm11 =	veq.s32 v17, $0x3;
	v8 =	vsel vm12, v5, v8  }
0x92: {  	vm14 =	veq.s32 v17, $0x4;
	v7 =	vsel vm15, v5, v12;
	vm9 =	veq.s32 v6, $0x1  }
0x93: {  	vm10 =	veq.s32 v6, $0x2;
	vm13 =	veq.s32 v6, $0x3;
	v18 =	vsel vm9, v2, v1  }
0x94: {  	vm5 =	veq.s32 v6, $0x4;
	v61 =	vsel vm8, v3, v58;
	v57 =	vsel vm10, v3, v18  }
0x95: {  	v7 =	vadd.f32 v7, v8;
	vm9 =	veq.s32 v17, $0x2;
	v15 =	vsel vm13, v4, v57  }
0x96: {  	vm10 =	veq.s32 v14, $0x3;
	v6 =	vsel vm5, v5, v15;
	v15 =	vsel vm9, v3, v60  }
0x97: {  	v16 =	vsel vm10, v4, v61;
	vm13 =	veq.s32 v14, $0x4;
	v62 =	vsel vm11, v4, v15  }
0x98: {  	v14 =	vsel vm13, v5, v16;
	v6 =	vadd.f32 v6, v10;
	v11 =	vsel vm14, v5, v62  }
0x99: {  	s22 =	sadd.s32 $0x1, s22;
	v63 =	vadd.f32 v14, v13;
	v9 =	vadd.f32 v9, v11  }
0x9a: {  	p0 =	sne.s32 s22, $0x19  }
.Ltmp1:
0x9b: {  	v7 =	vadd.f32 v63, v7;
	v6 =	vadd.f32 v9, v6;
	(pc) =	sbr.rel @p0 .LBB2_2-.Ltmp1, $3  }
0x9c: {  	_ = 	snop  }
0x9d: {  	v6 =	vadd.f32 v7, v6;
	_ =	sdelay $0x1  }
0x9e: {  	[tilespmem:s24+$0x0] =	vst.add.f32.msk $0xffff, v6  }
0x9f: {  	s21 =	sadd.s32 $0x1, s21  }
0xa0: {  	p0 =	sne.s32 s21, s11  }
.Ltmp2:
0xa1: {  	_ = 	snop;
	(pc) =	sbr.rel @p0 .LBB2_1-.Ltmp2, $4  }
0xa2: {  	[hbm4b:s10+s3] =	stream.linear.scatter [tilespmem:s20], [sflag:$0x2], $0x100, $0x38;
	[tilespmem:$0xC980] =	vst v63  }
0xa3: {  	_ =	swait.ge [sflag:s13], $0x100  }
0xa4: {  	[sflag:s13] =	ssyncset.done $0x0  }
0xa5: {  	[sflag:s13] =	ssyncadd.s32 $0xFFFFFF00  }
0xa6: {  	_ =	sfence.sel $0x180000  }
0xa7: {  	[bflag:$0x0] =	sbarrier.arrive $0xFFFF  }
0xa8: {  	p0 =	sne.s32 s1, $0x0;
	_ =	strace $0x90000047  }
0xa9: {  	s0 =	sadd.s32 @!p0 $0x100000, s0;
	[bflag:$0x2] =	sbarrier.arrive $0xFFFF  }
0xaa: {  	[sflag:s0] =	ssyncadd.tile.s32 @!p0 $0x1;
	_ =	shalt  }
.Lfunc_end2:
_tile_overlayer_lowered:
.L_overlay_start_2:
0xab: {  	(tag) =	ssettag $0x2  }
0xac: {  	s0 =	rddreg [dreg:$0x0];
	s2 =	stileid.u32  }
0xad: {  	s1 =	rddreg [dreg:$0x1];
	p0 =	sne.s32 s2, $0x0  }
0xae: {  	s3 =	rddreg [dreg:$0x2];
	[bflag:$0x3] =	sbarrier.arrive $0xFFFF;
	s2 =	simm.s32 @!p0 $0x1C02  }
0xaf: {  	[timem:s3], [sflag:s2] =	dma.local @!p0 [hbm:s0], s1  }
0xb0: {  	s0 =	simm.s32 @!p0 $0x2  }
0xb1: {  	_ =	swait.ge @!p0 [sflag:s0], s1  }
0xb2: {  	s1 =	ssub.s32 @!p0 $0x0, s1;
	[sflag:s0] =	ssyncset.done @!p0 $0x0  }
0xb3: {  	[sflag:s0] =	ssyncadd.s32 @!p0 s1  }
0xb4: {  	[bflag:$0x3] =	sbarrier.arrive $0xFFFF  }
0xb5: {  	_ =	shalt  }

</sc_bundles>
